<compile_context>
chip_gen: v7x
topology: tpu7x:2x2x1
jax: 0.10.2.dev20260603
libtpu: 0.0.44.dev20260713+nightly
codegen_flags: <defaults>
</compile_context>

<pallas_src>
import functools
import statistics

import numpy as np
import jax
import jax.numpy as jnp
from jax import lax
from jax.experimental import pallas as pl
from jax.experimental.pallas import tpu as pltpu
from jax.experimental.pallas import tpu_sc as plsc

_NUM_EMB = 1000000
_D = 64
_B = 16384
_F = 26
_N = _B * _F

_TBR = 7936
_POFF = 63 * _TBR
_P = _NUM_EMB - _POFF



def _nf5():
    nd = statistics.NormalDist()
    offset = 0.9677083
    pos = [nd.inv_cdf(p) for p in np.linspace(offset, 0.5, 17)[:-1]]
    neg = [-nd.inv_cdf(p) for p in np.linspace(offset, 0.5, 16)[:-1]]
    vals = np.array(sorted(pos + [0.0] + neg), dtype=np.float32)
    return vals / np.abs(vals).max()


_LV = _nf5()
_MID = ((_LV[:-1] + _LV[1:]) * np.float32(0.5)).astype(np.float32)
_LVI = np.round(_LV * 32767.0).astype(np.int16)
_MIDI = np.round(_MID * 16384.0).astype(np.int16)



def _tp_body(a_ref, b_ref, o_ref):
    o_ref[:, :_D] = a_ref[...].T
    o_ref[:, _D:] = b_ref[...].T


_transpose = pl.pallas_call(
    _tp_body,
    grid=(64,),
    in_specs=[
        pl.BlockSpec((_D, _TBR), lambda g: (0, g)),
        pl.BlockSpec((_D, _TBR), lambda g: (0, g + 63)),
    ],
    out_specs=pl.BlockSpec((_TBR, 128), lambda g: (g, 0)),
    out_shape=jax.ShapeDtypeStruct((_P, 128), jnp.float32),
)


_NC, _NS = 2, 16
_NW = _NC * _NS
_ROWS_PER_W = _N // _NW
_CHUNK = 512
_NCHUNK = _ROWS_PER_W // _CHUNK
_IPG = 128
_GPC = _CHUNK // _IPG
_NSLAB = _N // 2048


@functools.cache
def _make_gather():
    mesh = plsc.VectorSubcoreMesh(core_axis_name="c", subcore_axis_name="s")

    @functools.partial(
        pl.kernel,
        mesh=mesh,
        compiler_params=pltpu.CompilerParams(use_tc_tiling_on_sc=False),
        out_type=jax.ShapeDtypeStruct((_N, 128), jnp.float32),
        scratch_types=[
            pltpu.VMEM((_GPC, _IPG), jnp.int32),
            pltpu.VMEM((_CHUNK, 128), jnp.float32),
            pltpu.SemaphoreType.DMA,
        ],
    )
    def gather(idx2_hbm, table_hbm, out_hbm, idx_v, rows_v, sem):
        wid = lax.axis_index("s") * _NC + lax.axis_index("c")
        cbase = wid * _NCHUNK

        def body(i, carry):
            c = cbase + i
            irow = pl.multiple_of(c * _GPC, _GPC)
            pltpu.sync_copy(idx2_hbm.at[pl.ds(irow, _GPC)], idx_v)
            copies = []
            for j in range(_GPC):
                copies.append(
                    pltpu.async_copy(
                        table_hbm.at[idx_v.at[j]],
                        rows_v.at[pl.ds(j * _IPG, _IPG)],
                        sem,
                    )
                )
            for cp in copies:
                cp.wait()
            ro = pl.multiple_of(c * _CHUNK, _CHUNK)
            pltpu.sync_copy(rows_v, out_hbm.at[pl.ds(ro, _CHUNK)])
            return carry

        lax.fori_loop(0, _NCHUNK, body, 0)

    return gather



_BB = 8192
_JB = _B // _BB


def _fq(y):
    amax = jnp.max(jnp.abs(y), axis=0, keepdims=True)
    scale = jnp.where(amax > 0.0, amax, 1.0)
    si = (y * (16384.0 / scale)).astype(jnp.int16)
    q = jnp.full(y.shape, _LVI[0], jnp.int16)
    for k in range(1, 32):
        q = jnp.where(si > _MIDI[k - 1], jnp.int16(_LVI[k]), q)
    return q.astype(jnp.float32) * (scale * (1.0 / 32767.0))


def _quant_body(x_ref, h_ref, o_ref):
    x = x_ref[...]
    xt = x.T
    hv = h_ref[...].reshape(1, _BB) != 0
    y = jnp.where(hv, xt[_D:], xt[:_D])
    o_ref[0] = _fq(y)


_quantize = pl.pallas_call(
    _quant_body,
    grid=(_F, _JB),
    in_specs=[
        pl.BlockSpec((_BB, 128), lambda f, j: (f * _JB + j, 0)),
        pl.BlockSpec((1, 1, _BB), lambda f, j: (f * _JB + j, 0, 0)),
    ],
    out_specs=pl.BlockSpec((1, _D, _BB), lambda f, j: (f, 0, j)),
    out_shape=jax.ShapeDtypeStruct((_F, _D, _B), jnp.float32),
)



def kernel(input, weight):
    iT = input.T.astype(jnp.int32)
    h = (iT >= _P).astype(jnp.int32)
    p = iT - _POFF * h
    idx2 = p.reshape(_N // _IPG, _IPG)
    h3 = h.reshape(_F * _JB, 1, _BB)
    table2 = _transpose(weight.T, weight.T)
    gathered = _make_gather()(idx2, table2)
    q = _quantize(gathered, h3)
    return q.transpose(2, 0, 1)

# --- scband reference (transcript-rebuilt; emitter-appended) ---
"""Pipeline reference for scband-axsembedding-unified-19696720020173 (READ-ONLY COPY).

The authoritative reference and input builder live on the scoring server;
editing this copy changes nothing except your own understanding.
"""

import jax, jax.numpy as jnp
import numpy as np
import statistics

BLOCK_SIZE = 64
NUM_EMBEDDINGS = 1000000
EMBEDDING_DIM = 64
BATCH = 16384
FIELDS = 26


def _nf5_levels():
    # QLoRA-style NormalFloat codebook generalized to 5 bits (32 levels):
    # quantiles of the standard normal, asymmetric with an exact zero,
    # normalized to [-1, 1].
    nd = statistics.NormalDist()
    offset = 0.9677083
    pos = [nd.inv_cdf(p) for p in np.linspace(offset, 0.5, 17)[:-1]]
    neg = [-nd.inv_cdf(p) for p in np.linspace(offset, 0.5, 16)[:-1]]
    vals = np.array(sorted(pos + [0.0] + neg), dtype=np.float32)
    return vals / np.abs(vals).max()

_LEVELS = jnp.asarray(_nf5_levels())


def fake_quantize_unified(x, block_size):
    # Fused block-wise NF5 fake-quantize with 'nearest' rounding, applied
    # only to the gathered rows (lazy quantisation).
    shape = x.shape
    blocks = x.reshape(-1, block_size)
    absmax = jnp.max(jnp.abs(blocks), axis=1, keepdims=True)
    scale = jnp.where(absmax > 0, absmax, jnp.ones_like(absmax))
    normed = blocks / scale
    # nearest codebook level via searchsorted (levels are sorted ascending)
    idx = jnp.clip(jnp.searchsorted(_LEVELS, normed), 1, _LEVELS.shape[0] - 1)
    left = _LEVELS[idx - 1]
    right = _LEVELS[idx]
    q = jnp.where(jnp.abs(normed - left) <= jnp.abs(right - normed), left, right)
    return (q * scale).reshape(shape)


def setup_inputs(seed: int = 0) -> dict:
    key = jax.random.key(seed)
    k1, k2 = jax.random.split(key)
    indices = jax.random.randint(k1, (BATCH, FIELDS), 0, NUM_EMBEDDINGS)
    # nn.init.normal_(self.weight) -> standard normal table
    weight = jax.random.normal(k2, (NUM_EMBEDDINGS, EMBEDDING_DIM), dtype=jnp.float32)
    return {"input": indices, "weight": weight}


def reference(input, weight):
    # raw = F.embedding(input, self.weight, padding_idx=None)
    raw = jnp.take(weight, input, axis=0)
    # _warmup_active is False at inference -> apply lazy fake-quantize
    return fake_quantize_unified(raw, BLOCK_SIZE)

if __name__ == "__main__":
    import jax
    _d = setup_inputs()
    print(jax.jit(kernel)(*tuple(_d.values())))

</pallas_src>

<mosaic_0001>
#map = affine_map<(d0, d1) -> (0, 0)>
module attributes {stable_mosaic.version = 14 : i64} {
  func.func @gather(%arg0: i32, %arg1: i32, %arg2: memref<3328x128xi32, #tpu.memory_space<hbm>>, %arg3: memref<500032x128xf32, #tpu.memory_space<hbm>>, %arg4: memref<425984x128xf32, #tpu.memory_space<hbm>>, %arg5: memref<4x128xi32, #tpu.memory_space<vmem>>, %arg6: memref<512x128xf32, #tpu.memory_space<vmem>>, %arg7: memref<!tpu.dma_semaphore, #tpu.memory_space<semaphore_mem>>) attributes {dimension_semantics = [#tpu.dimension_semantics<core_parallel>, #tpu.dimension_semantics<subcore_parallel>], iteration_bounds = array<i64: 2, 16>, scalar_prefetch = 0 : i64, scratch_operands = 3 : i64, tpu.core_type = #tpu.core_type<sc_vector_subcore>, window_params = [{transform_indices = #map}, {transform_indices = #map}, {transform_indices = #map}]} {
    %mul3A = arith.constant 2 : i32
    %mul3A_0 = arith.muli %arg1, %mul3A : i32
    %add3A = arith.addi %mul3A_0, %arg0 : i32
    %mul3A_1 = arith.constant 26 : i32
    %mul3A_2 = arith.muli %add3A, %mul3A_1 : i32
    %scan3A = arith.constant 0 : i32
    %scan3A_3 = arith.constant 0 : i32
    %scan3A_4 = arith.constant 26 : i32
    %scan3A_5 = arith.addi %scan3A_3, %scan3A_4 : i32
    %scan3A_6 = arith.constant 1 : i32
    scf.for %scan3A_8 = %scan3A_3 to %scan3A_5 step %scan3A_6  : i32 {
      %add3A_9 = arith.addi %mul3A_2, %scan3A_8 : i32
      %mul3A_10 = arith.constant 4 : i32
      %mul3A_11 = arith.muli %add3A_9, %mul3A_10 : i32
      %multiple_of3A = tpu.assume_multiple %mul3A_11, 4 : i32
      "tpu.region"() ({
        %run_scoped3A = tpu.sem_alloc : memref<!tpu.dma_semaphore, #tpu.memory_space<semaphore_mem>>
        %dma_start3A_93 = arith.constant 0 : i32
        %dma_start3A_94 = tpu.memref_slice %arg2[%multiple_of3A, %dma_start3A_93] : memref<3328x128xi32, #tpu.memory_space<hbm>> -> memref<4x128xi32, #tpu.memory_space<hbm>>
        %dma_start3A_95 = arith.constant 0 : i32
        %dma_start3A_96 = tpu.memref_slice %arg2[%multiple_of3A, %dma_start3A_95] : memref<3328x128xi32, #tpu.memory_space<hbm>> -> memref<4x128xi32, #tpu.memory_space<hbm>>
        tpu.enqueue_dma source(%dma_start3A_96 : memref<4x128xi32, #tpu.memory_space<hbm>>) target(%arg5 : memref<4x128xi32, #tpu.memory_space<vmem>>) target_semaphore(%run_scoped3A : memref<!tpu.dma_semaphore, #tpu.memory_space<semaphore_mem>>)
        %dma_wait3A_97 = arith.constant 0 : i32
        %dma_wait3A_98 = tpu.memref_slice %arg2[%multiple_of3A, %dma_wait3A_97] : memref<3328x128xi32, #tpu.memory_space<hbm>> -> memref<4x128xi32, #tpu.memory_space<hbm>>
        %dma_wait3A_99 = arith.constant 0 : i32
        %dma_wait3A_100 = tpu.memref_slice %arg2[%multiple_of3A, %dma_wait3A_99] : memref<3328x128xi32, #tpu.memory_space<hbm>> -> memref<4x128xi32, #tpu.memory_space<hbm>>
        tpu.wait_dma2 semaphore(%run_scoped3A : memref<!tpu.dma_semaphore, #tpu.memory_space<semaphore_mem>>) src(%dma_wait3A_100 : memref<4x128xi32, #tpu.memory_space<hbm>>) dst(%arg5 : memref<4x128xi32, #tpu.memory_space<vmem>>)
        tpu.yield
      }) : () -> ()
      %dma_start3A = arith.constant 0 : i32
      %dma_start3A_12 = arith.constant 0 : i32
      %dma_start3A_13 = arith.constant 0 : i32
      %dma_start3A_14 = tpu.memref_slice %arg6[%dma_start3A_12, %dma_start3A_13] : memref<512x128xf32, #tpu.memory_space<vmem>> -> memref<128x128xf32, #tpu.memory_space<vmem>>
      %dma_start3A_15 = arith.constant 0 : i32
      %dma_start3A_16 = tpu.memref_slice %arg5[%dma_start3A, %dma_start3A_15] : memref<4x128xi32, #tpu.memory_space<vmem>> -> memref<1x128xi32, #tpu.memory_space<vmem>>
      %dma_start3A_17 = tpu.memref_squeeze %dma_start3A_16 : memref<1x128xi32, #tpu.memory_space<vmem>> -> memref<128xi32, #tpu.memory_space<vmem>>
      %dma_start3A_18 = arith.constant 0 : i32
      %dma_start3A_19 = arith.constant 0 : i32
      %dma_start3A_20 = tpu.memref_slice %arg3[%dma_start3A_18, %dma_start3A_19] : memref<500032x128xf32, #tpu.memory_space<hbm>> -> memref<500032x128xf32, #tpu.memory_space<hbm>>
      tpu.enqueue_indirect_dma source(%dma_start3A_20 : memref<500032x128xf32, #tpu.memory_space<hbm>>) target(%dma_start3A_14 : memref<128x128xf32, #tpu.memory_space<vmem>>) offsets(%dma_start3A_17 : memref<128xi32, #tpu.memory_space<vmem>>) semaphore(%arg7 : memref<!tpu.dma_semaphore, #tpu.memory_space<semaphore_mem>>)
      %dma_start3A_21 = arith.constant 1 : i32
      %dma_start3A_22 = arith.constant 128 : i32
      %dma_start3A_23 = arith.constant 0 : i32
      %dma_start3A_24 = tpu.memref_slice %arg6[%dma_start3A_22, %dma_start3A_23] : memref<512x128xf32, #tpu.memory_space<vmem>> -> memref<128x128xf32, #tpu.memory_space<vmem>>
      %dma_start3A_25 = arith.constant 0 : i32
      %dma_start3A_26 = tpu.memref_slice %arg5[%dma_start3A_21, %dma_start3A_25] : memref<4x128xi32, #tpu.memory_space<vmem>> -> memref<1x128xi32, #tpu.memory_space<vmem>>
      %dma_start3A_27 = tpu.memref_squeeze %dma_start3A_26 : memref<1x128xi32, #tpu.memory_space<vmem>> -> memref<128xi32, #tpu.memory_space<vmem>>
      %dma_start3A_28 = arith.constant 0 : i32
      %dma_start3A_29 = arith.constant 0 : i32
      %dma_start3A_30 = tpu.memref_slice %arg3[%dma_start3A_28, %dma_start3A_29] : memref<500032x128xf32, #tpu.memory_space<hbm>> -> memref<500032x128xf32, #tpu.memory_space<hbm>>
      tpu.enqueue_indirect_dma source(%dma_start3A_30 : memref<500032x128xf32, #tpu.memory_space<hbm>>) target(%dma_start3A_24 : memref<128x128xf32, #tpu.memory_space<vmem>>) offsets(%dma_start3A_27 : memref<128xi32, #tpu.memory_space<vmem>>) semaphore(%arg7 : memref<!tpu.dma_semaphore, #tpu.memory_space<semaphore_mem>>)
      %dma_start3A_31 = arith.constant 2 : i32
      %dma_start3A_32 = arith.constant 256 : i32
      %dma_start3A_33 = arith.constant 0 : i32
      %dma_start3A_34 = tpu.memref_slice %arg6[%dma_start3A_32, %dma_start3A_33] : memref<512x128xf32, #tpu.memory_space<vmem>> -> memref<128x128xf32, #tpu.memory_space<vmem>>
      %dma_start3A_35 = arith.constant 0 : i32
      %dma_start3A_36 = tpu.memref_slice %arg5[%dma_start3A_31, %dma_start3A_35] : memref<4x128xi32, #tpu.memory_space<vmem>> -> memref<1x128xi32, #tpu.memory_space<vmem>>
      %dma_start3A_37 = tpu.memref_squeeze %dma_start3A_36 : memref<1x128xi32, #tpu.memory_space<vmem>> -> memref<128xi32, #tpu.memory_space<vmem>>
      %dma_start3A_38 = arith.constant 0 : i32
      %dma_start3A_39 = arith.constant 0 : i32
      %dma_start3A_40 = tpu.memref_slice %arg3[%dma_start3A_38, %dma_start3A_39] : memref<500032x128xf32, #tpu.memory_space<hbm>> -> memref<500032x128xf32, #tpu.memory_space<hbm>>
      tpu.enqueue_indirect_dma source(%dma_start3A_40 : memref<500032x128xf32, #tpu.memory_space<hbm>>) target(%dma_start3A_34 : memref<128x128xf32, #tpu.memory_space<vmem>>) offsets(%dma_start3A_37 : memref<128xi32, #tpu.memory_space<vmem>>) semaphore(%arg7 : memref<!tpu.dma_semaphore, #tpu.memory_space<semaphore_mem>>)
      %dma_start3A_41 = arith.constant 3 : i32
      %dma_start3A_42 = arith.constant 384 : i32
      %dma_start3A_43 = arith.constant 0 : i32
      %dma_start3A_44 = tpu.memref_slice %arg6[%dma_start3A_42, %dma_start3A_43] : memref<512x128xf32, #tpu.memory_space<vmem>> -> memref<128x128xf32, #tpu.memory_space<vmem>>
      %dma_start3A_45 = arith.constant 0 : i32
      %dma_start3A_46 = tpu.memref_slice %arg5[%dma_start3A_41, %dma_start3A_45] : memref<4x128xi32, #tpu.memory_space<vmem>> -> memref<1x128xi32, #tpu.memory_space<vmem>>
      %dma_start3A_47 = tpu.memref_squeeze %dma_start3A_46 : memref<1x128xi32, #tpu.memory_space<vmem>> -> memref<128xi32, #tpu.memory_space<vmem>>
      %dma_start3A_48 = arith.constant 0 : i32
      %dma_start3A_49 = arith.constant 0 : i32
      %dma_start3A_50 = tpu.memref_slice %arg3[%dma_start3A_48, %dma_start3A_49] : memref<500032x128xf32, #tpu.memory_space<hbm>> -> memref<500032x128xf32, #tpu.memory_space<hbm>>
      tpu.enqueue_indirect_dma source(%dma_start3A_50 : memref<500032x128xf32, #tpu.memory_space<hbm>>) target(%dma_start3A_44 : memref<128x128xf32, #tpu.memory_space<vmem>>) offsets(%dma_start3A_47 : memref<128xi32, #tpu.memory_space<vmem>>) semaphore(%arg7 : memref<!tpu.dma_semaphore, #tpu.memory_space<semaphore_mem>>)
      %dma_wait3A = arith.constant 0 : i32
      %dma_wait3A_51 = arith.constant 0 : i32
      %dma_wait3A_52 = arith.constant 0 : i32
      %dma_wait3A_53 = tpu.memref_slice %arg6[%dma_wait3A_51, %dma_wait3A_52] : memref<512x128xf32, #tpu.memory_space<vmem>> -> memref<128x128xf32, #tpu.memory_space<vmem>>
      %dma_wait3A_54 = arith.constant 0 : i32
      %dma_wait3A_55 = tpu.memref_slice %arg5[%dma_wait3A, %dma_wait3A_54] : memref<4x128xi32, #tpu.memory_space<vmem>> -> memref<1x128xi32, #tpu.memory_space<vmem>>
      %dma_wait3A_56 = tpu.memref_squeeze %dma_wait3A_55 : memref<1x128xi32, #tpu.memory_space<vmem>> -> memref<128xi32, #tpu.memory_space<vmem>>
      %dma_wait3A_57 = arith.constant 0 : i32
      %dma_wait3A_58 = arith.constant 0 : i32
      %dma_wait3A_59 = tpu.memref_slice %arg3[%dma_wait3A_57, %dma_wait3A_58] : memref<500032x128xf32, #tpu.memory_space<hbm>> -> memref<500032x128xf32, #tpu.memory_space<hbm>>
      tpu.wait_indirect_dma semaphore(%arg7 : memref<!tpu.dma_semaphore, #tpu.memory_space<semaphore_mem>>) src(%dma_wait3A_59 : memref<500032x128xf32, #tpu.memory_space<hbm>>) dst(%dma_wait3A_53 : memref<128x128xf32, #tpu.memory_space<vmem>>)
      %dma_wait3A_60 = arith.constant 1 : i32
      %dma_wait3A_61 = arith.constant 128 : i32
      %dma_wait3A_62 = arith.constant 0 : i32
      %dma_wait3A_63 = tpu.memref_slice %arg6[%dma_wait3A_61, %dma_wait3A_62] : memref<512x128xf32, #tpu.memory_space<vmem>> -> memref<128x128xf32, #tpu.memory_space<vmem>>
      %dma_wait3A_64 = arith.constant 0 : i32
      %dma_wait3A_65 = tpu.memref_slice %arg5[%dma_wait3A_60, %dma_wait3A_64] : memref<4x128xi32, #tpu.memory_space<vmem>> -> memref<1x128xi32, #tpu.memory_space<vmem>>
      %dma_wait3A_66 = tpu.memref_squeeze %dma_wait3A_65 : memref<1x128xi32, #tpu.memory_space<vmem>> -> memref<128xi32, #tpu.memory_space<vmem>>
      %dma_wait3A_67 = arith.constant 0 : i32
      %dma_wait3A_68 = arith.constant 0 : i32
      %dma_wait3A_69 = tpu.memref_slice %arg3[%dma_wait3A_67, %dma_wait3A_68] : memref<500032x128xf32, #tpu.memory_space<hbm>> -> memref<500032x128xf32, #tpu.memory_space<hbm>>
      tpu.wait_indirect_dma semaphore(%arg7 : memref<!tpu.dma_semaphore, #tpu.memory_space<semaphore_mem>>) src(%dma_wait3A_69 : memref<500032x128xf32, #tpu.memory_space<hbm>>) dst(%dma_wait3A_63 : memref<128x128xf32, #tpu.memory_space<vmem>>)
      %dma_wait3A_70 = arith.constant 2 : i32
      %dma_wait3A_71 = arith.constant 256 : i32
      %dma_wait3A_72 = arith.constant 0 : i32
      %dma_wait3A_73 = tpu.memref_slice %arg6[%dma_wait3A_71, %dma_wait3A_72] : memref<512x128xf32, #tpu.memory_space<vmem>> -> memref<128x128xf32, #tpu.memory_space<vmem>>
      %dma_wait3A_74 = arith.constant 0 : i32
      %dma_wait3A_75 = tpu.memref_slice %arg5[%dma_wait3A_70, %dma_wait3A_74] : memref<4x128xi32, #tpu.memory_space<vmem>> -> memref<1x128xi32, #tpu.memory_space<vmem>>
      %dma_wait3A_76 = tpu.memref_squeeze %dma_wait3A_75 : memref<1x128xi32, #tpu.memory_space<vmem>> -> memref<128xi32, #tpu.memory_space<vmem>>
      %dma_wait3A_77 = arith.constant 0 : i32
      %dma_wait3A_78 = arith.constant 0 : i32
      %dma_wait3A_79 = tpu.memref_slice %arg3[%dma_wait3A_77, %dma_wait3A_78] : memref<500032x128xf32, #tpu.memory_space<hbm>> -> memref<500032x128xf32, #tpu.memory_space<hbm>>
      tpu.wait_indirect_dma semaphore(%arg7 : memref<!tpu.dma_semaphore, #tpu.memory_space<semaphore_mem>>) src(%dma_wait3A_79 : memref<500032x128xf32, #tpu.memory_space<hbm>>) dst(%dma_wait3A_73 : memref<128x128xf32, #tpu.memory_space<vmem>>)
      %dma_wait3A_80 = arith.constant 3 : i32
      %dma_wait3A_81 = arith.constant 384 : i32
      %dma_wait3A_82 = arith.constant 0 : i32
      %dma_wait3A_83 = tpu.memref_slice %arg6[%dma_wait3A_81, %dma_wait3A_82] : memref<512x128xf32, #tpu.memory_space<vmem>> -> memref<128x128xf32, #tpu.memory_space<vmem>>
      %dma_wait3A_84 = arith.constant 0 : i32
      %dma_wait3A_85 = tpu.memref_slice %arg5[%dma_wait3A_80, %dma_wait3A_84] : memref<4x128xi32, #tpu.memory_space<vmem>> -> memref<1x128xi32, #tpu.memory_space<vmem>>
      %dma_wait3A_86 = tpu.memref_squeeze %dma_wait3A_85 : memref<1x128xi32, #tpu.memory_space<vmem>> -> memref<128xi32, #tpu.memory_space<vmem>>
      %dma_wait3A_87 = arith.constant 0 : i32
      %dma_wait3A_88 = arith.constant 0 : i32
      %dma_wait3A_89 = tpu.memref_slice %arg3[%dma_wait3A_87, %dma_wait3A_88] : memref<500032x128xf32, #tpu.memory_space<hbm>> -> memref<500032x128xf32, #tpu.memory_space<hbm>>
      tpu.wait_indirect_dma semaphore(%arg7 : memref<!tpu.dma_semaphore, #tpu.memory_space<semaphore_mem>>) src(%dma_wait3A_89 : memref<500032x128xf32, #tpu.memory_space<hbm>>) dst(%dma_wait3A_83 : memref<128x128xf32, #tpu.memory_space<vmem>>)
      %mul3A_90 = arith.constant 512 : i32
      %mul3A_91 = arith.muli %add3A_9, %mul3A_90 : i32
      %multiple_of3A_92 = tpu.assume_multiple %mul3A_91, 512 : i32
      "tpu.region"() ({
        %run_scoped3A = tpu.sem_alloc : memref<!tpu.dma_semaphore, #tpu.memory_space<semaphore_mem>>
        %dma_start3A_93 = arith.constant 0 : i32
        %dma_start3A_94 = tpu.memref_slice %arg4[%multiple_of3A_92, %dma_start3A_93] : memref<425984x128xf32, #tpu.memory_space<hbm>> -> memref<512x128xf32, #tpu.memory_space<hbm>>
        %dma_start3A_95 = arith.constant 0 : i32
        %dma_start3A_96 = tpu.memref_slice %arg4[%multiple_of3A_92, %dma_start3A_95] : memref<425984x128xf32, #tpu.memory_space<hbm>> -> memref<512x128xf32, #tpu.memory_space<hbm>>
        tpu.enqueue_dma source(%arg6 : memref<512x128xf32, #tpu.memory_space<vmem>>) target(%dma_start3A_96 : memref<512x128xf32, #tpu.memory_space<hbm>>) target_semaphore(%run_scoped3A : memref<!tpu.dma_semaphore, #tpu.memory_space<semaphore_mem>>)
        %dma_wait3A_97 = arith.constant 0 : i32
        %dma_wait3A_98 = tpu.memref_slice %arg4[%multiple_of3A_92, %dma_wait3A_97] : memref<425984x128xf32, #tpu.memory_space<hbm>> -> memref<512x128xf32, #tpu.memory_space<hbm>>
        %dma_wait3A_99 = arith.constant 0 : i32
        %dma_wait3A_100 = tpu.memref_slice %arg4[%multiple_of3A_92, %dma_wait3A_99] : memref<425984x128xf32, #tpu.memory_space<hbm>> -> memref<512x128xf32, #tpu.memory_space<hbm>>
        tpu.wait_dma2 semaphore(%run_scoped3A : memref<!tpu.dma_semaphore, #tpu.memory_space<semaphore_mem>>) src(%arg6 : memref<512x128xf32, #tpu.memory_space<vmem>>) dst(%dma_wait3A_100 : memref<512x128xf32, #tpu.memory_space<hbm>>)
        tpu.yield
      }) : () -> ()
    }
    %scan3A_7 = arith.constant 26 : i32
    return
  }
}

module attributes {stable_mosaic.version = 14 : i64} {
  func.func @_tp_body(%arg0: i32, %arg1: memref<64x7936xf32, #tpu.memory_space<vmem>>, %arg2: memref<64x7936xf32, #tpu.memory_space<vmem>>, %arg3: memref<7936x128xf32, #tpu.memory_space<vmem>>) attributes {dimension_semantics = [#tpu.dimension_semantics<arbitrary>], iteration_bounds = array<i64: 64>, scalar_prefetch = 0 : i64, scratch_operands = 0 : i64, tpu.core_type = #tpu.core_type<tc>, window_params = [{transform_indices = @transform_0, window_bounds = array<i64: 64, 7936>}, {transform_indices = @transform_1, window_bounds = array<i64: 64, 7936>}, {transform_indices = @transform_2, window_bounds = array<i64: 7936, 128>}]} {
    %get3A = arith.constant 0 : index
    %get3A_0 = arith.constant 0 : index
    %get3A_1 = vector.load %arg1[%get3A, %get3A_0] : memref<64x7936xf32, #tpu.memory_space<vmem>>, vector<64x7936xf32>
    %transpose3A = tpu.transpose %get3A_1, [1, 0] : vector<64x7936xf32> -> vector<7936x64xf32>
    %swap3A = arith.constant 0 : index
    %swap3A_2 = arith.constant 0 : index
    %swap3A_3 = vector.load %arg3[%swap3A, %swap3A_2] : memref<7936x128xf32, #tpu.memory_space<vmem>>, vector<7936x64xf32>
    tpu.vector_store %arg3[%swap3A, %swap3A_2], %transpose3A {strides = array<i32>} : memref<7936x128xf32, #tpu.memory_space<vmem>>, vector<7936x64xf32>,
    %get3A_4 = arith.constant 0 : index
    %get3A_5 = arith.constant 0 : index
    %get3A_6 = vector.load %arg2[%get3A_4, %get3A_5] : memref<64x7936xf32, #tpu.memory_space<vmem>>, vector<64x7936xf32>
    %transpose3A_7 = tpu.transpose %get3A_6, [1, 0] : vector<64x7936xf32> -> vector<7936x64xf32>
    %swap3A_8 = arith.constant 0 : index
    %swap3A_9 = arith.constant 64 : index
    %swap3A_10 = vector.load %arg3[%swap3A_8, %swap3A_9] : memref<7936x128xf32, #tpu.memory_space<vmem>>, vector<7936x64xf32>
    tpu.vector_store %arg3[%swap3A_8, %swap3A_9], %transpose3A_7 {strides = array<i32>} : memref<7936x128xf32, #tpu.memory_space<vmem>>, vector<7936x64xf32>,
    return
  }
  func.func @transform_0(%arg0: i32) -> (i32, i32) {
    %c0_i32 = arith.constant 0 : i32
    %c0_i32_0 = arith.constant 0 : i32
    return %c0_i32, %arg0 : i32, i32
  }
  func.func @transform_1(%arg0: i32) -> (i32, i32) {
    %add3A = arith.constant 63 : i32
    %add3A_0 = arith.addi %arg0, %add3A : i32
    %c0_i32 = arith.constant 0 : i32
    %c0_i32_1 = arith.constant 0 : i32
    return %c0_i32, %add3A_0 : i32, i32
  }
  func.func @transform_2(%arg0: i32) -> (i32, i32) {
    %c0_i32 = arith.constant 0 : i32
    %c0_i32_0 = arith.constant 0 : i32
    return %arg0, %c0_i32 : i32, i32
  }
}

module attributes {stable_mosaic.version = 14 : i64} {
  func.func @_quant_body(%arg0: i32, %arg1: i32, %arg2: memref<8192x128xf32, #tpu.memory_space<vmem>>, %arg3: memref<1x1x8192xi32, #tpu.memory_space<vmem>>, %arg4: memref<1x64x8192xf32, #tpu.memory_space<vmem>>) attributes {dimension_semantics = [#tpu.dimension_semantics<arbitrary>, #tpu.dimension_semantics<arbitrary>], iteration_bounds = array<i64: 26, 2>, scalar_prefetch = 0 : i64, scratch_operands = 0 : i64, tpu.core_type = #tpu.core_type<tc>, window_params = [{transform_indices = @transform_0, window_bounds = array<i64: 8192, 128>}, {transform_indices = @transform_1, window_bounds = array<i64: 1, 1, 8192>}, {transform_indices = @transform_2, window_bounds = array<i64: 1, 64, 8192>}]} {
    %get3A = arith.constant 0 : index
    %get3A_0 = arith.constant 0 : index
    %get3A_1 = vector.load %arg2[%get3A, %get3A_0] : memref<8192x128xf32, #tpu.memory_space<vmem>>, vector<8192x128xf32>
    %transpose3A = tpu.transpose %get3A_1, [1, 0] : vector<8192x128xf32> -> vector<128x8192xf32>
    %get3A_2 = arith.constant 0 : index
    %get3A_3 = arith.constant 0 : index
    %get3A_4 = arith.constant 0 : index
    %get3A_5 = vector.load %arg3[%get3A_2, %get3A_3, %get3A_4] : memref<1x1x8192xi32, #tpu.memory_space<vmem>>, vector<1x1x8192xi32>
    %reshape3A = vector.shape_cast %get3A_5 : vector<1x1x8192xi32> to vector<1x8192xi32>
    %ne3A = arith.constant 0 : i32
    %ne3A_6 = vector.broadcast %ne3A : i32 to vector<1x8192xi32>
    %ne3A_7 = arith.cmpi ne, %reshape3A, %ne3A_6 : vector<1x8192xi32>
    %slice3A = vector.extract_strided_slice %transpose3A {offsets = [64, 0], sizes = [64, 8192], strides = [1, 1]} : vector<128x8192xf32> to vector<64x8192xf32>
    %slice3A_8 = vector.extract_strided_slice %transpose3A {offsets = [0, 0], sizes = [64, 8192], strides = [1, 1]} : vector<128x8192xf32> to vector<64x8192xf32>
    %broadcast_in_dim3A = vector.shape_cast %ne3A_7 : vector<1x8192xi1> to vector<1x8192xi1>
    %broadcast_in_dim3A_9 = vector.broadcast %broadcast_in_dim3A : vector<1x8192xi1> to vector<64x8192xi1>
    %select_n3A = arith.select %broadcast_in_dim3A_9, %slice3A, %slice3A_8 : vector<64x8192xi1>, vector<64x8192xf32>
    %abs3A = math.absf %select_n3A : vector<64x8192xf32>
    %reduce_max3A = arith.constant dense<0xFF800000> : vector<8192xf32>
    %reduce_max3A_10 = vector.multi_reduction <maximumf>, %abs3A, %reduce_max3A [0] : vector<64x8192xf32> to vector<8192xf32>
    %broadcast_in_dim3A_11 = vector.shape_cast %reduce_max3A_10 : vector<8192xf32> to vector<1x8192xf32>
    %gt3A = arith.constant 0.000000e+00 : f32
    %gt3A_12 = vector.broadcast %gt3A : f32 to vector<1x8192xf32>
    %gt3A_13 = arith.cmpf ogt, %broadcast_in_dim3A_11, %gt3A_12 : vector<1x8192xf32>
    %jit3A = arith.constant 1.000000e+00 : f32
    %broadcast_in_dim3A_14 = vector.broadcast %jit3A : f32 to vector<1x8192xf32>
    %select_n3A_15 = arith.select %gt3A_13, %broadcast_in_dim3A_11, %broadcast_in_dim3A_14 : vector<1x8192xi1>, vector<1x8192xf32>
    %div3A = arith.constant 1.638400e+04 : f32
    %div3A_16 = vector.broadcast %div3A : f32 to vector<1x8192xf32>
    %div3A_17 = arith.divf %div3A_16, %select_n3A_15 : vector<1x8192xf32>
    %mul3A = vector.broadcast %div3A_17 : vector<1x8192xf32> to vector<64x8192xf32>
    %mul3A_18 = arith.mulf %select_n3A, %mul3A : vector<64x8192xf32>
    %convert_element_type3A = arith.fptosi %mul3A_18 : vector<64x8192xf32> to vector<64x8192xi16>
    %broadcast_in_dim3A_19 = arith.constant -32767 : i16
    %broadcast_in_dim3A_20 = vector.broadcast %broadcast_in_dim3A_19 : i16 to vector<64x8192xi16>
    %gt3A_21 = arith.constant -14957 : i16
    %gt3A_22 = vector.broadcast %gt3A_21 : i16 to vector<64x8192xi16>
    %gt3A_23 = arith.cmpi sgt, %convert_element_type3A, %gt3A_22 : vector<64x8192xi16>
    %jit3A_24 = arith.constant -27060 : i16
    %broadcast_in_dim3A_25 = vector.broadcast %jit3A_24 : i16 to vector<64x8192xi16>
    %select_n3A_26 = arith.select %gt3A_23, %broadcast_in_dim3A_25, %broadcast_in_dim3A_20 : vector<64x8192xi1>, vector<64x8192xi16>
    %gt3A_27 = arith.constant -12584 : i16
    %gt3A_28 = vector.broadcast %gt3A_27 : i16 to vector<64x8192xi16>
    %gt3A_29 = arith.cmpi sgt, %convert_element_type3A, %gt3A_28 : vector<64x8192xi16>
    %jit3A_30 = arith.constant -23273 : i16
    %broadcast_in_dim3A_31 = vector.broadcast %jit3A_30 : i16 to vector<64x8192xi16>
    %select_n3A_32 = arith.select %gt3A_29, %broadcast_in_dim3A_31, %select_n3A_26 : vector<64x8192xi1>, vector<64x8192xi16>
    %gt3A_33 = arith.constant -10899 : i16
    %gt3A_34 = vector.broadcast %gt3A_33 : i16 to vector<64x8192xi16>
    %gt3A_35 = arith.cmpi sgt, %convert_element_type3A, %gt3A_34 : vector<64x8192xi16>
    %jit3A_36 = arith.constant -20324 : i16
    %broadcast_in_dim3A_37 = vector.broadcast %jit3A_36 : i16 to vector<64x8192xi16>
    %select_n3A_38 = arith.select %gt3A_35, %broadcast_in_dim3A_37, %select_n3A_32 : vector<64x8192xi1>, vector<64x8192xi16>
    %gt3A_39 = arith.constant -9544 : i16
    %gt3A_40 = vector.broadcast %gt3A_39 : i16 to vector<64x8192xi16>
    %gt3A_41 = arith.cmpi sgt, %convert_element_type3A, %gt3A_40 : vector<64x8192xi16>
    %jit3A_42 = arith.constant -17850 : i16
    %broadcast_in_dim3A_43 = vector.broadcast %jit3A_42 : i16 to vector<64x8192xi16>
    %select_n3A_44 = arith.select %gt3A_41, %broadcast_in_dim3A_43, %select_n3A_38 : vector<64x8192xi1>, vector<64x8192xi16>
    %gt3A_45 = arith.constant -8384 : i16
    %gt3A_46 = vector.broadcast %gt3A_45 : i16 to vector<64x8192xi16>
    %gt3A_47 = arith.cmpi sgt, %convert_element_type3A, %gt3A_46 : vector<64x8192xi16>
    %jit3A_48 = arith.constant -15683 : i16
    %broadcast_in_dim3A_49 = vector.broadcast %jit3A_48 : i16 to vector<64x8192xi16>
    %select_n3A_50 = arith.select %gt3A_47, %broadcast_in_dim3A_49, %select_n3A_44 : vector<64x8192xi1>, vector<64x8192xi16>
    %gt3A_51 = arith.constant -7353 : i16
    %gt3A_52 = vector.broadcast %gt3A_51 : i16 to vector<64x8192xi16>
    %gt3A_53 = arith.cmpi sgt, %convert_element_type3A, %gt3A_52 : vector<64x8192xi16>
    %jit3A_54 = arith.constant -13728 : i16
    %broadcast_in_dim3A_55 = vector.broadcast %jit3A_54 : i16 to vector<64x8192xi16>
    %select_n3A_56 = arith.select %gt3A_53, %broadcast_in_dim3A_55, %select_n3A_50 : vector<64x8192xi1>, vector<64x8192xi16>
    %gt3A_57 = arith.constant -6414 : i16
    %gt3A_58 = vector.broadcast %gt3A_57 : i16 to vector<64x8192xi16>
    %gt3A_59 = arith.cmpi sgt, %convert_element_type3A, %gt3A_58 : vector<64x8192xi16>
    %jit3A_60 = arith.constant -11928 : i16
    %broadcast_in_dim3A_61 = vector.broadcast %jit3A_60 : i16 to vector<64x8192xi16>
    %select_n3A_62 = arith.select %gt3A_59, %broadcast_in_dim3A_61, %select_n3A_56 : vector<64x8192xi1>, vector<64x8192xi16>
    %gt3A_63 = arith.constant -5543 : i16
    %gt3A_64 = vector.broadcast %gt3A_63 : i16 to vector<64x8192xi16>
    %gt3A_65 = arith.cmpi sgt, %convert_element_type3A, %gt3A_64 : vector<64x8192xi16>
    %jit3A_66 = arith.constant -10242 : i16
    %broadcast_in_dim3A_67 = vector.broadcast %jit3A_66 : i16 to vector<64x8192xi16>
    %select_n3A_68 = arith.select %gt3A_65, %broadcast_in_dim3A_67, %select_n3A_62 : vector<64x8192xi1>, vector<64x8192xi16>
    %gt3A_69 = arith.constant -4722 : i16
    %gt3A_70 = vector.broadcast %gt3A_69 : i16 to vector<64x8192xi16>
    %gt3A_71 = arith.cmpi sgt, %convert_element_type3A, %gt3A_70 : vector<64x8192xi16>
    %jit3A_72 = arith.constant -8645 : i16
    %broadcast_in_dim3A_73 = vector.broadcast %jit3A_72 : i16 to vector<64x8192xi16>
    %select_n3A_74 = arith.select %gt3A_71, %broadcast_in_dim3A_73, %select_n3A_68 : vector<64x8192xi1>, vector<64x8192xi16>
    %gt3A_75 = arith.constant -3940 : i16
    %gt3A_76 = vector.broadcast %gt3A_75 : i16 to vector<64x8192xi16>
    %gt3A_77 = arith.cmpi sgt, %convert_element_type3A, %gt3A_76 : vector<64x8192xi16>
    %jit3A_78 = arith.constant -7115 : i16
    %broadcast_in_dim3A_79 = vector.broadcast %jit3A_78 : i16 to vector<64x8192xi16>
    %select_n3A_80 = arith.select %gt3A_77, %broadcast_in_dim3A_79, %select_n3A_74 : vector<64x8192xi1>, vector<64x8192xi16>
    %gt3A_81 = arith.constant -3188 : i16
    %gt3A_82 = vector.broadcast %gt3A_81 : i16 to vector<64x8192xi16>
    %gt3A_83 = arith.cmpi sgt, %convert_element_type3A, %gt3A_82 : vector<64x8192xi16>
    %jit3A_84 = arith.constant -5636 : i16
    %broadcast_in_dim3A_85 = vector.broadcast %jit3A_84 : i16 to vector<64x8192xi16>
    %select_n3A_86 = arith.select %gt3A_83, %broadcast_in_dim3A_85, %select_n3A_80 : vector<64x8192xi1>, vector<64x8192xi16>
    %gt3A_87 = arith.constant -2458 : i16
    %gt3A_88 = vector.broadcast %gt3A_87 : i16 to vector<64x8192xi16>
    %gt3A_89 = arith.cmpi sgt, %convert_element_type3A, %gt3A_88 : vector<64x8192xi16>
    %jit3A_90 = arith.constant -4196 : i16
    %broadcast_in_dim3A_91 = vector.broadcast %jit3A_90 : i16 to vector<64x8192xi16>
    %select_n3A_92 = arith.select %gt3A_89, %broadcast_in_dim3A_91, %select_n3A_86 : vector<64x8192xi1>, vector<64x8192xi16>
    %gt3A_93 = arith.constant -1745 : i16
    %gt3A_94 = vector.broadcast %gt3A_93 : i16 to vector<64x8192xi16>
    %gt3A_95 = arith.cmpi sgt, %convert_element_type3A, %gt3A_94 : vector<64x8192xi16>
    %jit3A_96 = arith.constant -2783 : i16
    %broadcast_in_dim3A_97 = vector.broadcast %jit3A_96 : i16 to vector<64x8192xi16>
    %select_n3A_98 = arith.select %gt3A_95, %broadcast_in_dim3A_97, %select_n3A_92 : vector<64x8192xi1>, vector<64x8192xi16>
    %gt3A_99 = arith.constant -1043 : i16
    %gt3A_100 = vector.broadcast %gt3A_99 : i16 to vector<64x8192xi16>
    %gt3A_101 = arith.cmpi sgt, %convert_element_type3A, %gt3A_100 : vector<64x8192xi16>
    %jit3A_102 = arith.constant -1387 : i16
    %broadcast_in_dim3A_103 = vector.broadcast %jit3A_102 : i16 to vector<64x8192xi16>
    %select_n3A_104 = arith.select %gt3A_101, %broadcast_in_dim3A_103, %select_n3A_98 : vector<64x8192xi1>, vector<64x8192xi16>
    %gt3A_105 = arith.constant -347 : i16
    %gt3A_106 = vector.broadcast %gt3A_105 : i16 to vector<64x8192xi16>
    %gt3A_107 = arith.cmpi sgt, %convert_element_type3A, %gt3A_106 : vector<64x8192xi16>
    %jit3A_108 = arith.constant 0 : i16
    %broadcast_in_dim3A_109 = vector.broadcast %jit3A_108 : i16 to vector<64x8192xi16>
    %select_n3A_110 = arith.select %gt3A_107, %broadcast_in_dim3A_109, %select_n3A_104 : vector<64x8192xi1>, vector<64x8192xi16>
    %gt3A_111 = arith.constant 325 : i16
    %gt3A_112 = vector.broadcast %gt3A_111 : i16 to vector<64x8192xi16>
    %gt3A_113 = arith.cmpi sgt, %convert_element_type3A, %gt3A_112 : vector<64x8192xi16>
    %jit3A_114 = arith.constant 1300 : i16
    %broadcast_in_dim3A_115 = vector.broadcast %jit3A_114 : i16 to vector<64x8192xi16>
    %select_n3A_116 = arith.select %gt3A_113, %broadcast_in_dim3A_115, %select_n3A_110 : vector<64x8192xi1>, vector<64x8192xi16>
    %gt3A_117 = arith.constant 977 : i16
    %gt3A_118 = vector.broadcast %gt3A_117 : i16 to vector<64x8192xi16>
    %gt3A_119 = arith.cmpi sgt, %convert_element_type3A, %gt3A_118 : vector<64x8192xi16>
    %jit3A_120 = arith.constant 2608 : i16
    %broadcast_in_dim3A_121 = vector.broadcast %jit3A_120 : i16 to vector<64x8192xi16>
    %select_n3A_122 = arith.select %gt3A_119, %broadcast_in_dim3A_121, %select_n3A_116 : vector<64x8192xi1>, vector<64x8192xi16>
    %gt3A_123 = arith.constant 1634 : i16
    %gt3A_124 = vector.broadcast %gt3A_123 : i16 to vector<64x8192xi16>
    %gt3A_125 = arith.cmpi sgt, %convert_element_type3A, %gt3A_124 : vector<64x8192xi16>
    %jit3A_126 = arith.constant 3929 : i16
    %broadcast_in_dim3A_127 = vector.broadcast %jit3A_126 : i16 to vector<64x8192xi16>
    %select_n3A_128 = arith.select %gt3A_125, %broadcast_in_dim3A_127, %select_n3A_122 : vector<64x8192xi1>, vector<64x8192xi16>
    %gt3A_129 = arith.constant 2301 : i16
    %gt3A_130 = vector.broadcast %gt3A_129 : i16 to vector<64x8192xi16>
    %gt3A_131 = arith.cmpi sgt, %convert_element_type3A, %gt3A_130 : vector<64x8192xi16>
    %jit3A_132 = arith.constant 5273 : i16
    %broadcast_in_dim3A_133 = vector.broadcast %jit3A_132 : i16 to vector<64x8192xi16>
    %select_n3A_134 = arith.select %gt3A_131, %broadcast_in_dim3A_133, %select_n3A_128 : vector<64x8192xi1>, vector<64x8192xi16>
    %gt3A_135 = arith.constant 2980 : i16
    %gt3A_136 = vector.broadcast %gt3A_135 : i16 to vector<64x8192xi16>
    %gt3A_137 = arith.cmpi sgt, %convert_element_type3A, %gt3A_136 : vector<64x8192xi16>
    %jit3A_138 = arith.constant 6648 : i16
    %broadcast_in_dim3A_139 = vector.broadcast %jit3A_138 : i16 to vector<64x8192xi16>
    %select_n3A_140 = arith.select %gt3A_137, %broadcast_in_dim3A_139, %select_n3A_134 : vector<64x8192xi1>, vector<64x8192xi16>
    %gt3A_141 = arith.constant 3678 : i16
    %gt3A_142 = vector.broadcast %gt3A_141 : i16 to vector<64x8192xi16>
    %gt3A_143 = arith.cmpi sgt, %convert_element_type3A, %gt3A_142 : vector<64x8192xi16>
    %jit3A_144 = arith.constant 8064 : i16
    %broadcast_in_dim3A_145 = vector.broadcast %jit3A_144 : i16 to vector<64x8192xi16>
    %select_n3A_146 = arith.select %gt3A_143, %broadcast_in_dim3A_145, %select_n3A_140 : vector<64x8192xi1>, vector<64x8192xi16>
    %gt3A_147 = arith.constant 4400 : i16
    %gt3A_148 = vector.broadcast %gt3A_147 : i16 to vector<64x8192xi16>
    %gt3A_149 = arith.cmpi sgt, %convert_element_type3A, %gt3A_148 : vector<64x8192xi16>
    %jit3A_150 = arith.constant 9534 : i16
    %broadcast_in_dim3A_151 = vector.broadcast %jit3A_150 : i16 to vector<64x8192xi16>
    %select_n3A_152 = arith.select %gt3A_149, %broadcast_in_dim3A_151, %select_n3A_146 : vector<64x8192xi1>, vector<64x8192xi16>
    %gt3A_153 = arith.constant 5152 : i16
    %gt3A_154 = vector.broadcast %gt3A_153 : i16 to vector<64x8192xi16>
    %gt3A_155 = arith.cmpi sgt, %convert_element_type3A, %gt3A_154 : vector<64x8192xi16>
    %jit3A_156 = arith.constant 11072 : i16
    %broadcast_in_dim3A_157 = vector.broadcast %jit3A_156 : i16 to vector<64x8192xi16>
    %select_n3A_158 = arith.select %gt3A_155, %broadcast_in_dim3A_157, %select_n3A_152 : vector<64x8192xi1>, vector<64x8192xi16>
    %gt3A_159 = arith.constant 5943 : i16
    %gt3A_160 = vector.broadcast %gt3A_159 : i16 to vector<64x8192xi16>
    %gt3A_161 = arith.cmpi sgt, %convert_element_type3A, %gt3A_160 : vector<64x8192xi16>
    %jit3A_162 = arith.constant 12699 : i16
    %broadcast_in_dim3A_163 = vector.broadcast %jit3A_162 : i16 to vector<64x8192xi16>
    %select_n3A_164 = arith.select %gt3A_161, %broadcast_in_dim3A_163, %select_n3A_158 : vector<64x8192xi1>, vector<64x8192xi16>
    %gt3A_165 = arith.constant 6785 : i16
    %gt3A_166 = vector.broadcast %gt3A_165 : i16 to vector<64x8192xi16>
    %gt3A_167 = arith.cmpi sgt, %convert_element_type3A, %gt3A_166 : vector<64x8192xi16>
    %jit3A_168 = arith.constant 14441 : i16
    %broadcast_in_dim3A_169 = vector.broadcast %jit3A_168 : i16 to vector<64x8192xi16>
    %select_n3A_170 = arith.select %gt3A_167, %broadcast_in_dim3A_169, %select_n3A_164 : vector<64x8192xi1>, vector<64x8192xi16>
    %gt3A_171 = arith.constant 7694 : i16
    %gt3A_172 = vector.broadcast %gt3A_171 : i16 to vector<64x8192xi16>
    %gt3A_173 = arith.cmpi sgt, %convert_element_type3A, %gt3A_172 : vector<64x8192xi16>
    %jit3A_174 = arith.constant 16334 : i16
    %broadcast_in_dim3A_175 = vector.broadcast %jit3A_174 : i16 to vector<64x8192xi16>
    %select_n3A_176 = arith.select %gt3A_173, %broadcast_in_dim3A_175, %select_n3A_170 : vector<64x8192xi1>, vector<64x8192xi16>
    %gt3A_177 = arith.constant 8693 : i16
    %gt3A_178 = vector.broadcast %gt3A_177 : i16 to vector<64x8192xi16>
    %gt3A_179 = arith.cmpi sgt, %convert_element_type3A, %gt3A_178 : vector<64x8192xi16>
    %jit3A_180 = arith.constant 18435 : i16
    %broadcast_in_dim3A_181 = vector.broadcast %jit3A_180 : i16 to vector<64x8192xi16>
    %select_n3A_182 = arith.select %gt3A_179, %broadcast_in_dim3A_181, %select_n3A_176 : vector<64x8192xi1>, vector<64x8192xi16>
    %gt3A_183 = arith.constant 9817 : i16
    %gt3A_184 = vector.broadcast %gt3A_183 : i16 to vector<64x8192xi16>
    %gt3A_185 = arith.cmpi sgt, %convert_element_type3A, %gt3A_184 : vector<64x8192xi16>
    %jit3A_186 = arith.constant 20833 : i16
    %broadcast_in_dim3A_187 = vector.broadcast %jit3A_186 : i16 to vector<64x8192xi16>
    %select_n3A_188 = arith.select %gt3A_185, %broadcast_in_dim3A_187, %select_n3A_182 : vector<64x8192xi1>, vector<64x8192xi16>
    %gt3A_189 = arith.constant 11131 : i16
    %gt3A_190 = vector.broadcast %gt3A_189 : i16 to vector<64x8192xi16>
    %gt3A_191 = arith.cmpi sgt, %convert_element_type3A, %gt3A_190 : vector<64x8192xi16>
    %jit3A_192 = arith.constant 23689 : i16
    %broadcast_in_dim3A_193 = vector.broadcast %jit3A_192 : i16 to vector<64x8192xi16>
    %select_n3A_194 = arith.select %gt3A_191, %broadcast_in_dim3A_193, %select_n3A_188 : vector<64x8192xi1>, vector<64x8192xi16>
    %gt3A_195 = arith.constant 12758 : i16
    %gt3A_196 = vector.broadcast %gt3A_195 : i16 to vector<64x8192xi16>
    %gt3A_197 = arith.cmpi sgt, %convert_element_type3A, %gt3A_196 : vector<64x8192xi16>
    %jit3A_198 = arith.constant 27341 : i16
    %broadcast_in_dim3A_199 = vector.broadcast %jit3A_198 : i16 to vector<64x8192xi16>
    %select_n3A_200 = arith.select %gt3A_197, %broadcast_in_dim3A_199, %select_n3A_194 : vector<64x8192xi1>, vector<64x8192xi16>
    %gt3A_201 = arith.constant 15028 : i16
    %gt3A_202 = vector.broadcast %gt3A_201 : i16 to vector<64x8192xi16>
    %gt3A_203 = arith.cmpi sgt, %convert_element_type3A, %gt3A_202 : vector<64x8192xi16>
    %jit3A_204 = arith.constant 32767 : i16
    %broadcast_in_dim3A_205 = vector.broadcast %jit3A_204 : i16 to vector<64x8192xi16>
    %select_n3A_206 = arith.select %gt3A_203, %broadcast_in_dim3A_205, %select_n3A_200 : vector<64x8192xi1>, vector<64x8192xi16>
    %convert_element_type3A_207 = arith.sitofp %select_n3A_206 : vector<64x8192xi16> to vector<64x8192xf32>
    %mul3A_208 = arith.constant 3.05185094E-5 : f32
    %mul3A_209 = vector.broadcast %mul3A_208 : f32 to vector<1x8192xf32>
    %mul3A_210 = arith.mulf %select_n3A_15, %mul3A_209 : vector<1x8192xf32>
    %mul3A_211 = vector.broadcast %mul3A_210 : vector<1x8192xf32> to vector<64x8192xf32>
    %mul3A_212 = arith.mulf %convert_element_type3A_207, %mul3A_211 : vector<64x8192xf32>
    %swap3A = arith.constant 0 : index
    %swap3A_213 = arith.constant 0 : index
    %swap3A_214 = arith.constant 0 : index
    %swap3A_215 = vector.load %arg4[%swap3A, %swap3A_213, %swap3A_214] : memref<1x64x8192xf32, #tpu.memory_space<vmem>>, vector<1x64x8192xf32>
    %swap3A_216 = vector.shape_cast %swap3A_215 : vector<1x64x8192xf32> to vector<64x8192xf32>
    %swap3A_217 = vector.shape_cast %mul3A_212 : vector<64x8192xf32> to vector<1x64x8192xf32>
    tpu.vector_store %arg4[%swap3A, %swap3A_213, %swap3A_214], %swap3A_217 {strides = array<i32>} : memref<1x64x8192xf32, #tpu.memory_space<vmem>>, vector<1x64x8192xf32>,
    return
  }
  func.func @transform_0(%arg0: i32, %arg1: i32) -> (i32, i32) {
    %mul3A = arith.constant 2 : i32
    %mul3A_0 = arith.muli %arg0, %mul3A : i32
    %add3A = arith.addi %mul3A_0, %arg1 : i32
    %c0_i32 = arith.constant 0 : i32
    %c0_i32_1 = arith.constant 0 : i32
    return %add3A, %c0_i32 : i32, i32
  }
  func.func @transform_1(%arg0: i32, %arg1: i32) -> (i32, i32, i32) {
    %mul3A = arith.constant 2 : i32
    %mul3A_0 = arith.muli %arg0, %mul3A : i32
    %add3A = arith.addi %mul3A_0, %arg1 : i32
    %c0_i32 = arith.constant 0 : i32
    %c0_i32_1 = arith.constant 0 : i32
    %c0_i32_2 = arith.constant 0 : i32
    return %add3A, %c0_i32, %c0_i32_1 : i32, i32, i32
  }
  func.func @transform_2(%arg0: i32, %arg1: i32) -> (i32, i32, i32) {
    %c0_i32 = arith.constant 0 : i32
    %c0_i32_0 = arith.constant 0 : i32
    return %arg0, %c0_i32, %arg1 : i32, i32, i32
  }
}

</mosaic_0001>

<sc_bundles>
// kernel: kernel.5.cloned.1.call-start
scs
__scs_entry_jumppad:
0x0: {  	(pc) =	sbr.rel $0x88, $3  }
0x1: {  	(tag) =	ssettag $0x0;
	lr =	simm.s32 $0x1  }
0x2: {  	[smem:$0x3F9F] =	sst lr;
	_ =	strace $0xD0000000  }
0x3: {  	_ = 	snop  }
0x4: {  	_ = 	snop  }
0x5: {  	_ = 	snop  }
0x6: {  	_ = 	snop  }
0x7: {  	_ = 	snop  }
__scs_overlays_trampoline_lowered:
0x8: {  	[smem:$0x3FAE] =	sst s0  }
0x9: {  	[smem:$0x3FAF] =	sst s1  }
0xa: {  	[smem:$0x3FB0] =	sst s2  }
0xb: {  	[smem:$0x3FB1] =	sst s3  }
0xc: {  	[smem:$0x3FB2] =	sst s4  }
0xd: {  	[smem:$0x3FB3] =	sst s5  }
0xe: {  	[smem:$0x3FB4] =	sst s6  }
0xf: {  	[smem:$0x3FB5] =	sst s7  }
0x10: {  	[smem:$0x3FB6] =	sst s8  }
0x11: {  	[smem:$0x3FB7] =	sst s9;
	s0 =	simm.s32 @!p0 $0x0  }
0x12: {  	s1 =	sld [smem:$0x3F9D];
	s0 =	simm.s32 @p0 $0x1  }
0x13: {  	[smem:$0x3FB8] =	sst s0;
	s0 =	simm.s32 @!p1 $0x0  }
0x14: {  	s2 =	sld [smem:$0x3F9C];
	s0 =	simm.s32 @p1 $0x1  }
0x15: {  	[smem:$0x3FB9] =	sst s0;
	s0 =	simm.s32 @!p2 $0x0  }
0x16: {  	s3 =	sld [smem:$0x3FDB];
	s0 =	simm.s32 @p2 $0x1  }
0x17: {  	s4 =	simm.s32 $0x1BF5;
	[smem:$0x3FBB] =	sst s0  }
0x18: {  	s0 =	sld [smem:$0x3F9E];
	_ =	swait.ge [sflag:s4], $0x0  }
0x19: {  	s7 =	sld [smem:$0x3F9F]  }
0x1a: {  	s8 =	sadd.s32 $0xFFFFE003, lr  }
0x1b: {  	s9 =	sadd.s32 $0xFFFFFEF7, lr;
	s5 =	simm.s32 $0xFFFFFFFF;
	p2 =	slt.u32 s8, $0xFFFFF086  }
0x1c: {  	p1 =	slt.u32 s9, $0xF7A;
	s5 =	simm.s32 @!p2 $0x0  }
0x1d: {  	s5 =	simm.s32 @p1 $0x1;
	p0 =	seq.s32 s7, s2  }
0x1e: {  	s7 =	smul.u32 @!p0 $0xF7A, s2;
	p2 =	seq.s32 @!p0 s5, $0x0  }
0x1f: {  	s9 =	smul.u32 $0xF7A, s1;
	s8 =	simm.s32 @!p0 $0x1BF5;
	p2 =	por !p2, p0  }
0x20: {  	[sflag:s8] =	ssyncset.s32 @!p0 $0xFFFFF086;
	s6 =	sadd.s32 @!p0 s3, s7;
	s7 =	simm.s32 @!p0 $0x108  }
0x21: {  	s3 =	sadd.s32 s3, s9;
	s6 =	sadd.s32 @!p0 $0x88, s6;
	s7 =	simm.s32 @p2 $0x1082  }
0x22: {  	[simem:s7], [sflag:s8] =	dma.local @!p0 [hbm:s6], $0xF7A  }
0x23: {  	s9 =	sor.u32 $0xD0000000, s2;
	s6 =	simm.s32 $0x108;
	_ =	swait.ge @!p0 [sflag:s8], $0x0  }
0x24: {  	s3 =	sadd.s32 $0x88, s3;
	s6 =	simm.s32 @!p1 $0x1082;
	[sflag:s4] =	ssyncset.s32 $0xFFFFF086  }
0x25: {  	[simem:s6], [sflag:s4] =	dma.local [hbm:s3], $0xF7A  }
0x26: {  	[smem:$0x3F9F] =	sst s1;
	(tag) =	ssettag s2;
	_ =	strace s9  }
0x27: {  	s1 =	sld [smem:$0x3FAF]  }
0x28: {  	s2 =	sld [smem:$0x3FB0]  }
0x29: {  	s4 =	sld [smem:$0x3FB2]  }
0x2a: {  	p0 =	seq.s32 s5, $0x0;
	s5 =	sld [smem:$0x3FB3]  }
0x2b: {  	s6 =	sld [smem:$0x3FB4]  }
0x2c: {  	s7 =	sld [smem:$0x3FB5]  }
0x2d: {  	s3 =	simm.s32 $0x108;
	s8 =	sld [smem:$0x3FB6]  }
0x2e: {  	s3 =	simm.s32 @!p0 $0x1082;
	s9 =	sld [smem:$0x3FB7]  }
0x2f: {  	lr =	sadd.s32 s0, s3;
	s0 =	sld [smem:$0x3FAE]  }
0x30: {  	s3 =	sld [smem:$0x3FB1]  }
0x31: {  	[smem:$0x3FBA] =	sst s10  }
0x32: {  	s10 =	sld [smem:$0x3FB8];
	_ =	sdelay $0x3  }
0x33: {  	p0 =	seq.s32 s10, $0x1;
	s10 =	sld [smem:$0x3FBA];
	_ =	sdelay $0x3  }
0x34: {  	[smem:$0x3FBA] =	sst s10  }
0x35: {  	s10 =	sld [smem:$0x3FB9];
	_ =	sdelay $0x3  }
0x36: {  	p1 =	seq.s32 s10, $0x1;
	s10 =	sld [smem:$0x3FBA];
	_ =	sdelay $0x3  }
0x37: {  	[smem:$0x3FBA] =	sst s10  }
0x38: {  	s10 =	sld [smem:$0x3FBB]  }
0x39: {  	_ = 	snop;
	(pc) =	sbr.ind lr, $3  }
0x3a: {  	_ = 	snop  }
0x3b: {  	_ = 	snop  }
0x3c: {  	p2 =	seq.s32 s10, $0x1;
	s10 =	sld [smem:$0x3FBA]  }
0x3d: {  	_ =	shalt  }
0x3e: {  	_ =	shalt  }
0x3f: {  	_ =	shalt  }
0x40: {  	_ =	shalt  }
0x41: {  	_ =	shalt  }
0x42: {  	_ =	shalt  }
0x43: {  	_ =	shalt  }
0x44: {  	_ =	shalt  }
0x45: {  	_ =	shalt  }
0x46: {  	_ =	shalt  }
0x47: {  	_ =	shalt  }
0x48: {  	_ =	shalt  }
0x49: {  	_ =	shalt  }
0x4a: {  	_ =	shalt  }
0x4b: {  	_ =	shalt  }
0x4c: {  	_ =	shalt  }
0x4d: {  	_ =	shalt  }
0x4e: {  	_ =	shalt  }
0x4f: {  	_ =	shalt  }
0x50: {  	_ =	shalt  }
0x51: {  	_ =	shalt  }
0x52: {  	_ =	shalt  }
0x53: {  	_ =	shalt  }
0x54: {  	_ =	shalt  }
0x55: {  	_ =	shalt  }
0x56: {  	_ =	shalt  }
0x57: {  	_ =	shalt  }
0x58: {  	_ =	shalt  }
0x59: {  	_ =	shalt  }
0x5a: {  	_ =	shalt  }
0x5b: {  	_ =	shalt  }
0x5c: {  	_ =	shalt  }
0x5d: {  	_ =	shalt  }
0x5e: {  	_ =	shalt  }
0x5f: {  	_ =	shalt  }
0x60: {  	_ =	shalt  }
0x61: {  	_ =	shalt  }
0x62: {  	_ =	shalt  }
0x63: {  	_ =	shalt  }
0x64: {  	_ =	shalt  }
0x65: {  	_ =	shalt  }
0x66: {  	_ =	shalt  }
0x67: {  	_ =	shalt  }
0x68: {  	_ =	shalt  }
0x69: {  	_ =	shalt  }
0x6a: {  	_ =	shalt  }
0x6b: {  	_ =	shalt  }
0x6c: {  	_ =	shalt  }
0x6d: {  	_ =	shalt  }
0x6e: {  	_ =	shalt  }
0x6f: {  	_ =	shalt  }
0x70: {  	_ =	shalt  }
0x71: {  	_ =	shalt  }
0x72: {  	_ =	shalt  }
0x73: {  	_ =	shalt  }
0x74: {  	_ =	shalt  }
0x75: {  	_ =	shalt  }
0x76: {  	_ =	shalt  }
0x77: {  	_ =	shalt  }
0x78: {  	_ =	shalt  }
0x79: {  	_ =	shalt  }
0x7a: {  	_ =	shalt  }
0x7b: {  	_ =	shalt  }
0x7c: {  	_ =	shalt  }
0x7d: {  	_ =	shalt  }
0x7e: {  	_ =	shalt  }
0x7f: {  	_ =	shalt  }
0x80: {  	_ =	shalt  }
0x81: {  	_ =	shalt  }
0x82: {  	_ =	shalt  }
0x83: {  	_ =	shalt  }
0x84: {  	_ =	shalt  }
0x85: {  	_ =	shalt  }
0x86: {  	_ =	shalt  }
0x87: {  	_ =	shalt  }
.Lfunc_end0:
.L_simem_size_0:
called_computation_lowered:
.L_overlay_start_0:
0x88: {  	s2 =	sld [smem:$0x3FD9]  }
0x89: {  	s3 =	sld [smem:$0x3FFE];
	_ =	sdelay $0x1  }
0x8a: {  	s1 =	srdreg.scid  }
0x8b: {  	s0 =	sand.u32 $0x1, s1  }
0x8c: {  	s17 =	sshll.u32 s0, $0xA;
	s2 =	sadd.s32 s3, s2  }
0x8d: {  	s2 =	sadd.s32 s2, s17  }
0x8e: {  	[smem:$0x3FC6] =	sst s2  }
0x8f: {  	_ = 	snop  }
0x90: {  	s2 =	sld [smem:$0x3FD0];
	(tm) =	ssettm $0x1  }
0x91: {  	s18 =	sld [smem:$0x3FFB];
	_ =	sdelay $0x3  }
0x92: {  	_ =	strace s18  }
0x93: {  	s3 =	sld [smem:$0x3FFC];
	_ =	sdelay $0x3  }
0x94: {  	_ =	strace s3  }
0x95: {  	s3 =	sld [smem:$0x3FFD];
	_ =	sdelay $0x3  }
0x96: {  	_ =	strace s3  }
0x97: {  	_ =	strace $0x8FFFFFFF  }
0x98: {  	s19 =	sld [smem:$0x3FDB];
	_ =	sdelay $0x1  }
0x99: {  	s4 =	simm.s32 $_scs_section_size  }
0x9a: {  	s5 =	simm.s32 $_size__tile_overlayer_lowered;
	s6 =	simm.s32 $_tile_overlayer_lowered  }
0x9b: {  	s22 =	simm.s32 $0x1BFF;
	s21 =	sshll.u32 s6, $0x1;
	s3 =	sadd.s32 s4, s19  }
0x9c: {  	s7 =	simm.s32 $0x0;
	s20 =	sshll.u32 s5, $0x1;
	s5 =	sadd.s32 s21, s3  }
0x9d: {  	[timem:s7], [sflag:s22] =	dma.local [hbm:s5], s20  }
0x9e: {  	_ =	swait.ge [sflag:s22], s20  }
0x9f: {  	s4 =	ssub.s32 $0x0, s20;
	[sflag:s22] =	ssyncset.done $0x0  }
0xa0: {  	[sflag:s22] =	ssyncadd.s32 s4;
	_ =	sdelay $0x1  }
0xa1: {  	s23 =	simm.s32 $0x1B8B  }
0xa2: {  	_ =	swait.ge [sflag:s23], $0x1  }
0xa3: {  	[sflag:s23] =	ssyncset.done $0x0  }
0xa4: {  	s25 =	simm.s32 $0x1B8E;
	s24 =	sld [smem:$0x3FFE];
	[sflag:s23] =	ssyncadd.s32 $0xFFFFFFFF  }
0xa5: {  	s26 =	simm.s32 $execute0_lowered;
	[smem:$0x3FD2] =	sst s25  }
0xa6: {  	s5 =	sshll.u32 s26, $0x1;
	_ =	strace $0x80000046;
	[dreg:$0x1] =	wrdreg $0xFFFFFFFF  }
0xa7: {  	s28 =	simm.s32 $_size_execute0_lowered;
	s3 =	sadd.s32 s3, s5;
	[dreg:$0x0] =	wrdreg $0x0  }
0xa8: {  	s5 =	sshll.u32 s28, $0x1;
	[dreg:$0x2] =	wrdreg s3  }
0xa9: {  	[dreg:$0x3] =	wrdreg s5  }
0xaa: {  	[dreg:$0x4] =	wrdreg $0xC0  }
0xab: {  	_ =	task [dreg:s7], $0x5FFFF  }
0xac: {  	[dreg:$0x1] =	wrdreg $0xFFFFFFFF  }
0xad: {  	[dreg:$0x0] =	wrdreg $0x60  }
0xae: {  	[dreg:$0x2] =	wrdreg s2  }
0xaf: {  	[dreg:$0x3] =	wrdreg s24  }
0xb0: {  	[dreg:$0x4] =	wrdreg $0x9  }
0xb1: {  	_ =	task.clear_ibuf [dreg:s7], $0x5FFFF;
	_ =	strace $0x90000046  }
0xb2: {  	s29 =	simm.s32 $0x9;
	_ =	strace $0x80000048  }
0xb3: {  	_ =	swait.ge [sflag:s29], $0x1  }
0xb4: {  	[sflag:s29] =	ssyncadd.s32 $0xFFFFFFFF  }
0xb5: {  	_ =	strace $0x90000048  }
0xb6: {  	_ =	sfence  }
0xb7: {  	s30 =	sld [smem:$0x0];
	_ =	sdelay $0x2  }
0xb8: {  	s31 =	sshll.u32 s1, $0xD;
	s1 =	sshrl.u32 s1, $0x2  }
0xb9: {  	s3 =	sand.u32 $0x4000, s31;
	s1 =	sadd.s32 s1, s30  }
0xba: {  	s0 =	sor.u32 s3, s0;
	s1 =	sshll.u32 s1, $0x11  }
0xbb: {  	s0 =	sor.u32 s1, s0  }
0xbc: {  	s0 =	sadd.s32 $0x8F2B, s0  }
0xbd: {  	[sflag:s0] =	ssyncadd.remote.s32 $0x1  }
0xbe: {  	_ =	sfence.sel $0xFFFF  }
0xbf: {  	[dreg:$0x0] =	wrdreg $0xFFFFFFFF;
	(pc) =	sbr.abs _section_cstart, $3  }
0xc0: {  	[dreg:$0x1] =	wrdreg $0xFFFFFFFF  }
0xc1: {  	_ =	task.clear_ibuf [dreg:s7], $0x2FFFF;
	_ =	strace $0x9FFFFFFF  }
0xc2: {  	(tm) =	ssettm $0x7FFFFFFF  }
0xc3: {  	_ =	shalt  }
tec
execute0_lowered:
.L_overlay_start_1:
0x0: {  	(tag) =	ssettag $0x1  }
0x1: {  	s5 =	rddreg [dreg:$0x0]  }
0x2: {  	s4 =	rddreg [dreg:$0x1]  }
0x3: {  	s0 =	rddreg [dreg:$0x2]  }
0x4: {  	s2 =	simm.s32 $0x0;
	s1 =	stileid.u32;
	s3 =	srdreg.scid  }
0x5: {  	s12 =	simm.s32 $0x8200;
	s13 =	simm.s32 $0x180;
	s14 =	simm.s32 $0xC200  }
0x6: {  	s15 =	simm.s32 $0x1;
	s16 =	simm.s32 $0x0;
	s6 =	smul.u32 $0x68000, s1  }
0x7: {  	[smem:$0x7FF] =	sst s2;
	s7 =	sand.u32 $0x1, s3;
	s11 =	smul.u32 $0xD00, s1  }
0x8: {  	s3 =	sadd.s32 $0x800, s4;
	s8 =	ssub.s32 $0x2, s7;
	s9 =	smul.u32 $0x34000, s7  }
0x9: {  	_ =	strace $0x80000047;
	s7 =	smul.u32 $0x680, s7;
	s10 =	sshrl.u32 s8, $0x1  }
0xa: {  	s6 =	sadd.s32 s6, s4;
	s31 =	sadd.s32 s11, s5;
	s11 =	simm.s32 $0x100  }
0xb: {  	s30 =	ssub.s32 s8, s10;
	s6 =	sadd.s32 s9, s6;
	s8 =	simm.s32 $0x80  }
0xc: {  	s9 =	simm.s32 $0x200;
	s10 =	simm.s32 $0x4200;
	s4 =	smax.u32 s30, $0x1  }
0xd: {  	s5 =	sadd.s32 $0x7A1C00, s6;
	s6 =	sadd.s32 s7, s31;
	s7 =	simm.s32 $0x2  }
.LBB2_1:
0xe: {  	s17 =	sadd.s32 $0x0, s6  }
0xf: {  	[tilespmem:s2], [sflag:$0x2] =	stream.linear.gather [hbm4b:s17+s2], $0x200, $0x38;
	[tilespmem:$0x10200] =	vst v63  }
0x10: {  	_ =	swait.ge [sflag:s7], $0x200  }
0x11: {  	[sflag:s7] =	ssyncset.done $0x0  }
0x12: {  	[sflag:s7] =	ssyncadd.s32 $0xFFFFFE00  }
0x13: {  	[tilespmem:s9], [sflag:$0x1] =	stream.indirect.gather [hbm4b:s3+s8], $0x80, s2, s8, $0xb8;
	[tilespmem:$0x10200] =	vst v63  }
0x14: {  	_ = 	snop  }
0x15: {  	[tilespmem:s10], [sflag:$0x1] =	stream.indirect.gather [hbm4b:s3+s8], $0x80, s8, s8, $0xb8;
	[tilespmem:$0x10200] =	vst v63  }
0x16: {  	_ = 	snop  }
0x17: {  	[tilespmem:s12], [sflag:$0x1] =	stream.indirect.gather [hbm4b:s3+s8], $0x80, s11, s8, $0xb8;
	[tilespmem:$0x10200] =	vst v63  }
0x18: {  	_ = 	snop  }
0x19: {  	[tilespmem:s14], [sflag:$0x1] =	stream.indirect.gather [hbm4b:s3+s8], $0x80, s13, s8, $0xb8;
	[tilespmem:$0x10200] =	vst v63  }
0x1a: {  	_ =	swait.ge [sflag:s15], $0x4000  }
0x1b: {  	[sflag:s15] =	ssyncset.done $0x0  }
0x1c: {  	[sflag:s15] =	ssyncadd.s32 $0xFFFFC000  }
0x1d: {  	_ =	swait.ge [sflag:s15], $0x4000  }
0x1e: {  	[sflag:s15] =	ssyncset.done $0x0  }
0x1f: {  	[sflag:s15] =	ssyncadd.s32 $0xFFFFC000  }
0x20: {  	_ =	swait.ge [sflag:s15], $0x4000  }
0x21: {  	[sflag:s15] =	ssyncset.done $0x0  }
0x22: {  	[sflag:s15] =	ssyncadd.s32 $0xFFFFC000  }
0x23: {  	_ =	swait.ge [sflag:s15], $0x4000  }
0x24: {  	[sflag:s15] =	ssyncset.done $0x0  }
0x25: {  	[sflag:s15] =	ssyncadd.s32 $0xFFFFC000  }
0x26: {  	[hbm4b:s5+s2] =	stream.linear.scatter [tilespmem:s9], [sflag:$0x2], $0x10000, $0x38;
	[tilespmem:$0x10200] =	vst v63  }
0x27: {  	s18 =	simm.s32 $0x40;
	_ =	swait.ge [sflag:s7], $0x10000  }
0x28: {  	s19 =	simm.s32 $0x80;
	s17 =	sadd.s32 $0x2000, s5;
	[sflag:s7] =	ssyncset.done $0x0  }
.LBB2_2:
0x29: {  	s20 =	sadd.s32 s18, s6  }
0x2a: {  	[sflag:s7] =	ssyncadd.s32 $0xFFFF0000;
	s18 =	smov.u32 s19;
	s21 =	sadd.s32 $0x40, s19  }
0x2b: {  	[tilespmem:s2], [sflag:$0x2] =	stream.linear.gather [hbm4b:s20+s2], $0x200, $0x38;
	[tilespmem:$0x10200] =	vst v63  }
0x2c: {  	p0 =	sne.s32 s19, $0x640;
	_ =	swait.ge [sflag:s7], $0x200  }
0x2d: {  	[sflag:s7] =	ssyncset.done $0x0  }
0x2e: {  	[sflag:s7] =	ssyncadd.s32 $0xFFFFFE00  }
0x2f: {  	[tilespmem:s9], [sflag:$0x1] =	stream.indirect.gather [hbm4b:s3+s8], $0x80, s2, s8, $0xb8;
	[tilespmem:$0x10200] =	vst v63  }
0x30: {  	_ = 	snop  }
0x31: {  	[tilespmem:s10], [sflag:$0x1] =	stream.indirect.gather [hbm4b:s3+s8], $0x80, s8, s8, $0xb8;
	[tilespmem:$0x10200] =	vst v63  }
0x32: {  	_ = 	snop  }
0x33: {  	[tilespmem:s12], [sflag:$0x1] =	stream.indirect.gather [hbm4b:s3+s8], $0x80, s11, s8, $0xb8;
	[tilespmem:$0x10200] =	vst v63  }
0x34: {  	_ = 	snop  }
0x35: {  	[tilespmem:s14], [sflag:$0x1] =	stream.indirect.gather [hbm4b:s3+s8], $0x80, s13, s8, $0xb8;
	[tilespmem:$0x10200] =	vst v63  }
0x36: {  	_ =	swait.ge [sflag:s15], $0x4000  }
0x37: {  	[sflag:s15] =	ssyncset.done $0x0  }
0x38: {  	[sflag:s15] =	ssyncadd.s32 $0xFFFFC000  }
0x39: {  	_ =	swait.ge [sflag:s15], $0x4000  }
0x3a: {  	[sflag:s15] =	ssyncset.done $0x0  }
0x3b: {  	[sflag:s15] =	ssyncadd.s32 $0xFFFFC000  }
0x3c: {  	_ =	swait.ge [sflag:s15], $0x4000  }
0x3d: {  	[sflag:s15] =	ssyncset.done $0x0  }
0x3e: {  	[sflag:s15] =	ssyncadd.s32 $0xFFFFC000  }
0x3f: {  	_ =	swait.ge [sflag:s15], $0x4000  }
.Ltmp0:
0x40: {  	[sflag:s15] =	ssyncset.done $0x0;
	(pc) =	sbr.rel @p0 .LBB2_2-.Ltmp0, $4  }
0x41: {  	[sflag:s15] =	ssyncadd.s32 $0xFFFFC000  }
0x42: {  	[hbm4b:s17+s2] =	stream.linear.scatter [tilespmem:s9], [sflag:$0x2], $0x10000, $0x38;
	[tilespmem:$0x10200] =	vst v63  }
0x43: {  	_ =	swait.ge [sflag:s7], $0x10000  }
0x44: {  	s19 =	smov.u32 s21;
	s17 =	sadd.s32 $0x2000, s17;
	[sflag:s7] =	ssyncset.done $0x0  }
0x45: {  	s18 =	sadd.s32 s18, s6;
	[sflag:s7] =	ssyncadd.s32 $0xFFFF0000  }
0x46: {  	[tilespmem:s2], [sflag:$0x2] =	stream.linear.gather [hbm4b:s18+s2], $0x200, $0x38;
	[tilespmem:$0x10200] =	vst v63  }
0x47: {  	_ =	swait.ge [sflag:s7], $0x200  }
0x48: {  	[sflag:s7] =	ssyncset.done $0x0  }
0x49: {  	[sflag:s7] =	ssyncadd.s32 $0xFFFFFE00  }
0x4a: {  	[tilespmem:s9], [sflag:$0x1] =	stream.indirect.gather [hbm4b:s3+s8], $0x80, s2, s8, $0xb8;
	[tilespmem:$0x10200] =	vst v63  }
0x4b: {  	_ = 	snop  }
0x4c: {  	[tilespmem:s10], [sflag:$0x1] =	stream.indirect.gather [hbm4b:s3+s8], $0x80, s8, s8, $0xb8;
	[tilespmem:$0x10200] =	vst v63  }
0x4d: {  	_ = 	snop  }
0x4e: {  	[tilespmem:s12], [sflag:$0x1] =	stream.indirect.gather [hbm4b:s3+s8], $0x80, s11, s8, $0xb8;
	[tilespmem:$0x10200] =	vst v63  }
0x4f: {  	_ = 	snop  }
0x50: {  	[tilespmem:s14], [sflag:$0x1] =	stream.indirect.gather [hbm4b:s3+s8], $0x80, s13, s8, $0xb8;
	[tilespmem:$0x10200] =	vst v63  }
0x51: {  	_ =	swait.ge [sflag:s15], $0x4000  }
0x52: {  	[sflag:s15] =	ssyncset.done $0x0  }
0x53: {  	[sflag:s15] =	ssyncadd.s32 $0xFFFFC000  }
0x54: {  	_ =	swait.ge [sflag:s15], $0x4000  }
0x55: {  	[sflag:s15] =	ssyncset.done $0x0  }
0x56: {  	[sflag:s15] =	ssyncadd.s32 $0xFFFFC000  }
0x57: {  	_ =	swait.ge [sflag:s15], $0x4000  }
0x58: {  	[sflag:s15] =	ssyncset.done $0x0  }
0x59: {  	[sflag:s15] =	ssyncadd.s32 $0xFFFFC000  }
0x5a: {  	s16 =	sadd.s32 $0x1, s16;
	_ =	swait.ge [sflag:s15], $0x4000  }
0x5b: {  	p0 =	sne.s32 s16, s4;
	[sflag:s15] =	ssyncset.done $0x0  }
.Ltmp1:
0x5c: {  	[sflag:s15] =	ssyncadd.s32 $0xFFFFC000;
	(pc) =	sbr.rel @p0 .LBB2_1-.Ltmp1, $4  }
0x5d: {  	[hbm4b:s17+s2] =	stream.linear.scatter [tilespmem:s9], [sflag:$0x2], $0x10000, $0x38;
	[tilespmem:$0x10200] =	vst v63  }
0x5e: {  	_ =	swait.ge [sflag:s7], $0x10000  }
0x5f: {  	[sflag:s7] =	ssyncset.done $0x0  }
0x60: {  	[sflag:s7] =	ssyncadd.s32 $0xFFFF0000  }
0x61: {  	_ =	sfence.sel $0x180000  }
0x62: {  	[bflag:$0x0] =	sbarrier.arrive $0xFFFF  }
0x63: {  	p0 =	sne.s32 s1, $0x0;
	_ =	strace $0x90000047  }
0x64: {  	s0 =	sadd.s32 @!p0 $0x100000, s0;
	[bflag:$0x2] =	sbarrier.arrive $0xFFFF  }
0x65: {  	[sflag:s0] =	ssyncadd.tile.s32 @!p0 $0x1;
	_ =	shalt  }
.Lfunc_end2:
_tile_overlayer_lowered:
.L_overlay_start_2:
0x66: {  	(tag) =	ssettag $0x2  }
0x67: {  	s0 =	rddreg [dreg:$0x0];
	s2 =	stileid.u32  }
0x68: {  	s1 =	rddreg [dreg:$0x1];
	p0 =	sne.s32 s2, $0x0  }
0x69: {  	s3 =	rddreg [dreg:$0x2];
	[bflag:$0x3] =	sbarrier.arrive $0xFFFF;
	s2 =	simm.s32 @!p0 $0x1C02  }
0x6a: {  	[timem:s3], [sflag:s2] =	dma.local @!p0 [hbm:s0], s1  }
0x6b: {  	s0 =	simm.s32 @!p0 $0x2  }
0x6c: {  	_ =	swait.ge @!p0 [sflag:s0], s1  }
0x6d: {  	s1 =	ssub.s32 @!p0 $0x0, s1;
	[sflag:s0] =	ssyncset.done @!p0 $0x0  }
0x6e: {  	[sflag:s0] =	ssyncadd.s32 @!p0 s1  }
0x6f: {  	[bflag:$0x3] =	sbarrier.arrive $0xFFFF  }
0x70: {  	_ =	shalt  }

</sc_bundles>
